<compile_context>
chip_gen: v7x
topology: tpu7x:2x2x1
jax: 0.10.2.dev20260603
libtpu: 0.0.44.dev20260713+nightly
codegen_flags: <defaults>
</compile_context>

<pallas_src>
import jax
import jax.numpy as jnp
from jax.experimental import pallas as pl
from jax.experimental.pallas import tpu as pltpu

E = 8
TOPK = 2
D = 1024
DFF = 2048
T = 2048

BT = 128
NA = T * TOPK
NB = NA // BT + E
NP = NB * BT
BC = 128


def _routing_metadata(gating_output):
    scores = jax.nn.softmax(gating_output.astype(jnp.float32), axis=-1)
    topk_w, topk_ids = jax.lax.top_k(scores, TOPK)
    topk_w = topk_w / jnp.sum(topk_w, axis=-1, keepdims=True)

    flat_e = topk_ids.reshape(-1)
    onehot = (flat_e[:, None] == jnp.arange(E)[None, :]).astype(jnp.int32)
    counts = jnp.sum(onehot, axis=0)
    blocks_e = (counts + BT - 1) // BT
    padded_off = (jnp.concatenate([jnp.zeros((1,), jnp.int32),
                                   jnp.cumsum(blocks_e)[:-1].astype(jnp.int32)])
                  * BT)
    rank = jnp.cumsum(onehot, axis=0) - onehot
    rank = jnp.take_along_axis(rank, flat_e[:, None], axis=1)[:, 0]
    pos = padded_off[flat_e] + rank
    pos_t = pos.reshape(T, TOPK).T.reshape(1, TOPK, T)
    block_expert = jnp.repeat(jnp.arange(E, dtype=jnp.int32), blocks_e,
                              total_repeat_length=NB)
    return block_expert, pos_t, topk_w


def _expert_kernel(be_ref, pos_ref, x_ref, w1_ref, w2_ref, y_ref):
    b = pl.program_id(0)
    row_id = jax.lax.broadcasted_iota(jnp.int32, (BT, T), 0) + b * BT
    sel = ((row_id == pos_ref[0, 0, :][None, :]) |
           (row_id == pos_ref[0, 1, :][None, :])
           ).astype(jnp.float32).astype(jnp.bfloat16)
    xb = jax.lax.dot_general(sel, x_ref[...], (((1,), (0,)), ((), ())),
                             preferred_element_type=jnp.float32
                             ).astype(jnp.bfloat16)
    nt = (((1,), (1,)), ((), ()))
    g = jax.lax.dot_general(xb, w1_ref[0, :DFF, :], nt,
                            preferred_element_type=jnp.float32)
    u = jax.lax.dot_general(xb, w1_ref[0, DFF:, :], nt,
                            preferred_element_type=jnp.float32)
    h = (g * jax.nn.sigmoid(g)) * u
    y_ref[...] = jax.lax.dot_general(h.astype(jnp.bfloat16), w2_ref[0], nt,
                                     preferred_element_type=jnp.float32
                                     ).astype(jnp.bfloat16)


def _combine_kernel(pos_ref, w_ref, y_ref, out_ref):
    c = pl.program_id(0)
    col_id = jax.lax.broadcasted_iota(jnp.int32, (BC, NP), 1)
    w0 = w_ref[:, 0:1]
    w1 = w_ref[:, 1:2]
    sel = (jnp.where(col_id == pos_ref[:, 0:1], w0, 0.0) +
           jnp.where(col_id == pos_ref[:, 1:2], w1, 0.0)).astype(jnp.bfloat16)
    out_ref[...] = jax.lax.dot_general(sel, y_ref[...], (((1,), (0,)), ((), ())),
                                       preferred_element_type=jnp.float32)


@jax.jit
def kernel(x, gating_output, w1, w2):
    block_expert, pos_t, topk_w = _routing_metadata(gating_output)
    pos_tok = pos_t.reshape(TOPK, T).T

    xb16 = x.astype(jnp.bfloat16)
    w1b16 = w1.astype(jnp.bfloat16)
    w2b16 = w2.astype(jnp.bfloat16)

    grid_spec = pltpu.PrefetchScalarGridSpec(
        num_scalar_prefetch=1,
        grid=(NB,),
        in_specs=[
            pl.BlockSpec((1, TOPK, T), lambda b, be: (0, 0, 0)),
            pl.BlockSpec((T, D), lambda b, be: (0, 0)),
            pl.BlockSpec((1, 2 * DFF, D), lambda b, be: (be[b], 0, 0)),
            pl.BlockSpec((1, D, DFF), lambda b, be: (be[b], 0, 0)),
        ],
        out_specs=pl.BlockSpec((BT, D), lambda b, be: (b, 0)),
    )
    y_sorted = pl.pallas_call(
        _expert_kernel,
        grid_spec=grid_spec,
        out_shape=jax.ShapeDtypeStruct((NP, D), jnp.bfloat16),
        compiler_params=pltpu.CompilerParams(
            dimension_semantics=("arbitrary",),
        ),
    )(block_expert, pos_t, xb16, w1b16, w2b16)

    out = pl.pallas_call(
        _combine_kernel,
        grid=(T // BC,),
        in_specs=[
            pl.BlockSpec((BC, TOPK), lambda c: (c, 0)),
            pl.BlockSpec((BC, TOPK), lambda c: (c, 0)),
            pl.BlockSpec((NP, D), lambda c: (0, 0)),
        ],
        out_specs=pl.BlockSpec((BC, D), lambda c: (c, 0)),
        out_shape=jax.ShapeDtypeStruct((T, D), jnp.float32),
        compiler_params=pltpu.CompilerParams(
            dimension_semantics=("arbitrary",),
        ),
    )(pos_tok, topk_w, y_sorted)
    return out

# --- scband reference (transcript-rebuilt; emitter-appended) ---
"""Pipeline reference for scband-gptqmarlin-mo-e-42348377539245 (READ-ONLY COPY).

The authoritative reference and input builder live on the scoring server;
editing this copy changes nothing except your own understanding.
"""

import jax, jax.numpy as jnp
import numpy as np

E = 8
TOPK = 2
D = 1024
DFF = 2048
T = 2048


def setup_inputs(seed: int = 0) -> dict:
    key = jax.random.key(seed)
    k1, k2, k3, k4 = jax.random.split(key, 4)
    x = jax.random.normal(k1, (T, D), dtype=jnp.float32)
    gating_output = jax.random.normal(k2, (T, E), dtype=jnp.float32)
    # Dequantized equivalents of the GPTQ-Marlin packed expert weights.
    # w1: fused gate_proj + up_proj per expert, layout [E, 2*DFF, D] (out_features x in_features)
    # w2: down_proj per expert, layout [E, D, DFF]
    w1 = jax.random.normal(k3, (E, 2 * DFF, D), dtype=jnp.float32) * 0.02
    w2 = jax.random.normal(k4, (E, D, DFF), dtype=jnp.float32) * 0.02
    return {"x": x, "gating_output": gating_output, "w1": w1, "w2": w2}


def reference(x, gating_output, w1, w2):
    # Faithful math of fused_marlin_moe with use_grouped_topk=False, renormalize=True:
    # softmax over experts, top-k selection, renormalize selected weights,
    # per-expert SwiGLU MLP (silu(gate) * up -> down), weighted combine.
    scores = jax.nn.softmax(gating_output.astype(jnp.float32), axis=-1)
    topk_w, topk_ids = jax.lax.top_k(scores, TOPK)  # [T, TOPK]
    topk_w = topk_w / jnp.sum(topk_w, axis=-1, keepdims=True)  # renormalize=True
    out = jnp.zeros_like(x)
    for e in range(E):
        gu = x @ w1[e].T  # [T, 2*DFF]
        gate = gu[:, :DFF]
        up = gu[:, DFF:]
        h = jax.nn.silu(gate) * up  # [T, DFF]
        y = h @ w2[e].T  # [T, D]
        # routing weight for tokens that selected expert e (0 otherwise)
        mask_w = jnp.sum(jnp.where(topk_ids == e, topk_w, 0.0), axis=-1)  # [T]
        out = out + y * mask_w[:, None]
    return out

if __name__ == "__main__":
    import jax
    _d = setup_inputs()
    print(jax.jit(kernel)(*tuple(_d.values())))

</pallas_src>

<mosaic_0001>
module attributes {stable_mosaic.version = 14 : i64} {
  func.func @_expert_kernel(%arg0: i32, %arg1: memref<40xi32, #tpu.memory_space<smem>>, %arg2: memref<1x2x2048xi32, #tpu.memory_space<vmem>>, %arg3: memref<2048x1024xbf16, #tpu.memory_space<vmem>>, %arg4: memref<1x4096x1024xbf16, #tpu.memory_space<vmem>>, %arg5: memref<1x1024x2048xbf16, #tpu.memory_space<vmem>>, %arg6: memref<128x1024xbf16, #tpu.memory_space<vmem>>) attributes {dimension_semantics = [#tpu.dimension_semantics<arbitrary>], iteration_bounds = array<i64: 40>, scalar_prefetch = 1 : i64, scratch_operands = 0 : i64, tpu.core_type = #tpu.core_type<tc>, window_params = [{pipeline_mode = #tpu.pipeline_mode<synchronous>, transform_indices = @transform_0, window_bounds = array<i64: 1, 2, 2048>}, {pipeline_mode = #tpu.pipeline_mode<synchronous>, transform_indices = @transform_1, window_bounds = array<i64: 2048, 1024>}, {transform_indices = @transform_2, window_bounds = array<i64: 1, 4096, 1024>}, {transform_indices = @transform_3, window_bounds = array<i64: 1, 1024, 2048>}, {transform_indices = @transform_4, window_bounds = array<i64: 128, 1024>}]} {
    %iota3A = tpu.iota {dimensions = array<i32: 0>} : vector<128x2048xi32>
    %mul3A = arith.constant 128 : i32
    %mul3A_0 = arith.muli %arg0, %mul3A : i32
    %add3A = vector.broadcast %mul3A_0 : i32 to vector<128x2048xi32>
    %add3A_1 = arith.addi %iota3A, %add3A : vector<128x2048xi32>
    %get3A = arith.constant 0 : index
    %get3A_2 = arith.constant 0 : index
    %get3A_3 = arith.constant 0 : index
    %get3A_4 = vector.load %arg2[%get3A, %get3A_2, %get3A_3] : memref<1x2x2048xi32, #tpu.memory_space<vmem>>, vector<1x1x2048xi32>
    %get3A_5 = vector.shape_cast %get3A_4 : vector<1x1x2048xi32> to vector<2048xi32>
    %broadcast_in_dim3A = vector.shape_cast %get3A_5 : vector<2048xi32> to vector<1x2048xi32>
    %eq3A = vector.broadcast %broadcast_in_dim3A : vector<1x2048xi32> to vector<128x2048xi32>
    %eq3A_6 = arith.cmpi eq, %add3A_1, %eq3A : vector<128x2048xi32>
    %get3A_7 = arith.constant 0 : index
    %get3A_8 = arith.constant 1 : index
    %get3A_9 = arith.constant 0 : index
    %get3A_10 = vector.load %arg2[%get3A_7, %get3A_8, %get3A_9] : memref<1x2x2048xi32, #tpu.memory_space<vmem>>, vector<1x1x2048xi32>
    %get3A_11 = vector.shape_cast %get3A_10 : vector<1x1x2048xi32> to vector<2048xi32>
    %broadcast_in_dim3A_12 = vector.shape_cast %get3A_11 : vector<2048xi32> to vector<1x2048xi32>
    %eq3A_13 = vector.broadcast %broadcast_in_dim3A_12 : vector<1x2048xi32> to vector<128x2048xi32>
    %eq3A_14 = arith.cmpi eq, %add3A_1, %eq3A_13 : vector<128x2048xi32>
    %or3A = arith.ori %eq3A_6, %eq3A_14 : vector<128x2048xi1>
    %convert_element_type3A = arith.extui %or3A : vector<128x2048xi1> to vector<128x2048xi32>
    %convert_element_type3A_15 = arith.sitofp %convert_element_type3A : vector<128x2048xi32> to vector<128x2048xf32>
    %convert_element_type3A_16 = arith.truncf %convert_element_type3A_15 : vector<128x2048xf32> to vector<128x2048xbf16>
    %get3A_17 = arith.constant 0 : index
    %get3A_18 = arith.constant 0 : index
    %get3A_19 = vector.load %arg3[%get3A_17, %get3A_18] : memref<2048x1024xbf16, #tpu.memory_space<vmem>>, vector<2048x1024xbf16>
    %dot_general3A = arith.constant dense<0.000000e+00> : vector<128x1024xf32>
    %dot_general3A_20 = tpu.matmul %convert_element_type3A_16, %get3A_19, %dot_general3A {dimension_numbers = #tpu.dot_dimension_numbers<[1], [0], [0], [1], [0, 0, 1, 1], [], []>, transpose_lhs_hint = false} : vector<128x2048xbf16>, vector<2048x1024xbf16>, vector<128x1024xf32> -> vector<128x1024xf32>
    %convert_element_type3A_21 = arith.truncf %dot_general3A_20 : vector<128x1024xf32> to vector<128x1024xbf16>
    %get3A_22 = arith.constant 0 : index
    %get3A_23 = arith.constant 0 : index
    %get3A_24 = arith.constant 0 : index
    %get3A_25 = vector.load %arg4[%get3A_22, %get3A_23, %get3A_24] : memref<1x4096x1024xbf16, #tpu.memory_space<vmem>>, vector<1x2048x1024xbf16>
    %get3A_26 = vector.shape_cast %get3A_25 : vector<1x2048x1024xbf16> to vector<2048x1024xbf16>
    %dot_general3A_27 = arith.constant dense<0.000000e+00> : vector<128x2048xf32>
    %dot_general3A_28 = tpu.matmul %convert_element_type3A_21, %get3A_26, %dot_general3A_27 {dimension_numbers = #tpu.dot_dimension_numbers<[1], [1], [0], [0], [0, 0, 1, 0], [], []>, transpose_lhs_hint = false} : vector<128x1024xbf16>, vector<2048x1024xbf16>, vector<128x2048xf32> -> vector<128x2048xf32>
    %get3A_29 = arith.constant 0 : index
    %get3A_30 = arith.constant 2048 : index
    %get3A_31 = arith.constant 0 : index
    %get3A_32 = vector.load %arg4[%get3A_29, %get3A_30, %get3A_31] : memref<1x4096x1024xbf16, #tpu.memory_space<vmem>>, vector<1x2048x1024xbf16>
    %get3A_33 = vector.shape_cast %get3A_32 : vector<1x2048x1024xbf16> to vector<2048x1024xbf16>
    %dot_general3A_34 = arith.constant dense<0.000000e+00> : vector<128x2048xf32>
    %dot_general3A_35 = tpu.matmul %convert_element_type3A_21, %get3A_33, %dot_general3A_34 {dimension_numbers = #tpu.dot_dimension_numbers<[1], [1], [0], [0], [0, 0, 1, 0], [], []>, transpose_lhs_hint = false} : vector<128x1024xbf16>, vector<2048x1024xbf16>, vector<128x2048xf32> -> vector<128x2048xf32>
    %logistic3A = arith.negf %dot_general3A_28 : vector<128x2048xf32>
    %logistic3A_36 = math.exp %logistic3A : vector<128x2048xf32>
    %logistic3A_37 = arith.constant 1.000000e+00 : f32
    %logistic3A_38 = vector.broadcast %logistic3A_37 : f32 to vector<128x2048xf32>
    %logistic3A_39 = arith.addf %logistic3A_38, %logistic3A_36 : vector<128x2048xf32>
    %logistic3A_40 = arith.divf %logistic3A_38, %logistic3A_39 : vector<128x2048xf32>
    %mul3A_41 = arith.mulf %dot_general3A_28, %logistic3A_40 : vector<128x2048xf32>
    %mul3A_42 = arith.mulf %mul3A_41, %dot_general3A_35 : vector<128x2048xf32>
    %convert_element_type3A_43 = arith.truncf %mul3A_42 : vector<128x2048xf32> to vector<128x2048xbf16>
    %get3A_44 = arith.constant 0 : index
    %get3A_45 = arith.constant 0 : index
    %get3A_46 = arith.constant 0 : index
    %get3A_47 = vector.load %arg5[%get3A_44, %get3A_45, %get3A_46] : memref<1x1024x2048xbf16, #tpu.memory_space<vmem>>, vector<1x1024x2048xbf16>
    %get3A_48 = vector.shape_cast %get3A_47 : vector<1x1024x2048xbf16> to vector<1024x2048xbf16>
    %dot_general3A_49 = arith.constant dense<0.000000e+00> : vector<128x1024xf32>
    %dot_general3A_50 = tpu.matmul %convert_element_type3A_43, %get3A_48, %dot_general3A_49 {dimension_numbers = #tpu.dot_dimension_numbers<[1], [1], [0], [0], [0, 0, 1, 0], [], []>, transpose_lhs_hint = false} : vector<128x2048xbf16>, vector<1024x2048xbf16>, vector<128x1024xf32> -> vector<128x1024xf32>
    %convert_element_type3A_51 = arith.truncf %dot_general3A_50 : vector<128x1024xf32> to vector<128x1024xbf16>
    %swap3A = arith.constant 0 : index
    %swap3A_52 = arith.constant 0 : index
    %swap3A_53 = vector.load %arg6[%swap3A, %swap3A_52] : memref<128x1024xbf16, #tpu.memory_space<vmem>>, vector<128x1024xbf16>
    tpu.vector_store %arg6[%swap3A, %swap3A_52], %convert_element_type3A_51 {strides = array<i32>} : memref<128x1024xbf16, #tpu.memory_space<vmem>>, vector<128x1024xbf16>,
    return
  }
  func.func @transform_0(%arg0: i32, %arg1: memref<40xi32, #tpu.memory_space<smem>>) -> (i32, i32, i32) {
    %c0_i32 = arith.constant 0 : i32
    %c0_i32_0 = arith.constant 0 : i32
    %c0_i32_1 = arith.constant 0 : i32
    %c0_i32_2 = arith.constant 0 : i32
    return %c0_i32, %c0_i32_0, %c0_i32_1 : i32, i32, i32
  }
  func.func @transform_1(%arg0: i32, %arg1: memref<40xi32, #tpu.memory_space<smem>>) -> (i32, i32) {
    %c0_i32 = arith.constant 0 : i32
    %c0_i32_0 = arith.constant 0 : i32
    %c0_i32_1 = arith.constant 0 : i32
    return %c0_i32, %c0_i32_0 : i32, i32
  }
  func.func @transform_2(%arg0: i32, %arg1: memref<40xi32, #tpu.memory_space<smem>>) -> (i32, i32, i32) {
    %get3A = arith.index_cast %arg0 : i32 to index
    %get3A_0 = memref.load %arg1[%get3A] : memref<40xi32, #tpu.memory_space<smem>>
    %c0_i32 = arith.constant 0 : i32
    %c0_i32_1 = arith.constant 0 : i32
    %c0_i32_2 = arith.constant 0 : i32
    return %get3A_0, %c0_i32, %c0_i32_1 : i32, i32, i32
  }
  func.func @transform_3(%arg0: i32, %arg1: memref<40xi32, #tpu.memory_space<smem>>) -> (i32, i32, i32) {
    %get3A = arith.index_cast %arg0 : i32 to index
    %get3A_0 = memref.load %arg1[%get3A] : memref<40xi32, #tpu.memory_space<smem>>
    %c0_i32 = arith.constant 0 : i32
    %c0_i32_1 = arith.constant 0 : i32
    %c0_i32_2 = arith.constant 0 : i32
    return %get3A_0, %c0_i32, %c0_i32_1 : i32, i32, i32
  }
  func.func @transform_4(%arg0: i32, %arg1: memref<40xi32, #tpu.memory_space<smem>>) -> (i32, i32) {
    %c0_i32 = arith.constant 0 : i32
    %c0_i32_0 = arith.constant 0 : i32
    return %arg0, %c0_i32 : i32, i32
  }
}

module attributes {stable_mosaic.version = 14 : i64} {
  func.func @_combine_kernel(%arg0: i32, %arg1: memref<128x2xi32, #tpu.memory_space<vmem>>, %arg2: memref<128x2xf32, #tpu.memory_space<vmem>>, %arg3: memref<5120x1024xbf16, #tpu.memory_space<vmem>>, %arg4: memref<128x1024xf32, #tpu.memory_space<vmem>>) attributes {dimension_semantics = [#tpu.dimension_semantics<arbitrary>], iteration_bounds = array<i64: 16>, scalar_prefetch = 0 : i64, scratch_operands = 0 : i64, tpu.core_type = #tpu.core_type<tc>, window_params = [{transform_indices = @transform_0, window_bounds = array<i64: 128, 2>}, {transform_indices = @transform_1, window_bounds = array<i64: 128, 2>}, {pipeline_mode = #tpu.pipeline_mode<synchronous>, transform_indices = @transform_2, window_bounds = array<i64: 5120, 1024>}, {transform_indices = @transform_3, window_bounds = array<i64: 128, 1024>}]} {
    %iota3A = tpu.iota {dimensions = array<i32: 1>} : vector<128x5120xi32>
    %get3A = arith.constant 0 : index
    %get3A_0 = arith.constant 0 : index
    %get3A_1 = vector.load %arg2[%get3A, %get3A_0] : memref<128x2xf32, #tpu.memory_space<vmem>>, vector<128x1xf32>
    %get3A_2 = arith.constant 0 : index
    %get3A_3 = arith.constant 1 : index
    %get3A_4 = vector.load %arg2[%get3A_2, %get3A_3] : memref<128x2xf32, #tpu.memory_space<vmem>>, vector<128x1xf32>
    %get3A_5 = arith.constant 0 : index
    %get3A_6 = arith.constant 0 : index
    %get3A_7 = vector.load %arg1[%get3A_5, %get3A_6] : memref<128x2xi32, #tpu.memory_space<vmem>>, vector<128x1xi32>
    %eq3A = vector.broadcast %get3A_7 : vector<128x1xi32> to vector<128x5120xi32>
    %eq3A_8 = arith.cmpi eq, %iota3A, %eq3A : vector<128x5120xi32>
    %jit3A = arith.constant 0.000000e+00 : f32
    %broadcast_in_dim3A = vector.shape_cast %get3A_1 : vector<128x1xf32> to vector<128x1xf32>
    %broadcast_in_dim3A_9 = vector.broadcast %broadcast_in_dim3A : vector<128x1xf32> to vector<128x5120xf32>
    %broadcast_in_dim3A_10 = vector.broadcast %jit3A : f32 to vector<128x5120xf32>
    %select_n3A = arith.select %eq3A_8, %broadcast_in_dim3A_9, %broadcast_in_dim3A_10 : vector<128x5120xi1>, vector<128x5120xf32>
    %get3A_11 = arith.constant 0 : index
    %get3A_12 = arith.constant 1 : index
    %get3A_13 = vector.load %arg1[%get3A_11, %get3A_12] : memref<128x2xi32, #tpu.memory_space<vmem>>, vector<128x1xi32>
    %eq3A_14 = vector.broadcast %get3A_13 : vector<128x1xi32> to vector<128x5120xi32>
    %eq3A_15 = arith.cmpi eq, %iota3A, %eq3A_14 : vector<128x5120xi32>
    %jit3A_16 = arith.constant 0.000000e+00 : f32
    %broadcast_in_dim3A_17 = vector.shape_cast %get3A_4 : vector<128x1xf32> to vector<128x1xf32>
    %broadcast_in_dim3A_18 = vector.broadcast %broadcast_in_dim3A_17 : vector<128x1xf32> to vector<128x5120xf32>
    %broadcast_in_dim3A_19 = vector.broadcast %jit3A_16 : f32 to vector<128x5120xf32>
    %select_n3A_20 = arith.select %eq3A_15, %broadcast_in_dim3A_18, %broadcast_in_dim3A_19 : vector<128x5120xi1>, vector<128x5120xf32>
    %add3A = arith.addf %select_n3A, %select_n3A_20 : vector<128x5120xf32>
    %convert_element_type3A = arith.truncf %add3A : vector<128x5120xf32> to vector<128x5120xbf16>
    %get3A_21 = arith.constant 0 : index
    %get3A_22 = arith.constant 0 : index
    %get3A_23 = vector.load %arg3[%get3A_21, %get3A_22] : memref<5120x1024xbf16, #tpu.memory_space<vmem>>, vector<5120x1024xbf16>
    %dot_general3A = arith.constant dense<0.000000e+00> : vector<128x1024xf32>
    %dot_general3A_24 = tpu.matmul %convert_element_type3A, %get3A_23, %dot_general3A {dimension_numbers = #tpu.dot_dimension_numbers<[1], [0], [0], [1], [0, 0, 1, 1], [], []>, transpose_lhs_hint = false} : vector<128x5120xbf16>, vector<5120x1024xbf16>, vector<128x1024xf32> -> vector<128x1024xf32>
    %swap3A = arith.constant 0 : index
    %swap3A_25 = arith.constant 0 : index
    %swap3A_26 = vector.load %arg4[%swap3A, %swap3A_25] : memref<128x1024xf32, #tpu.memory_space<vmem>>, vector<128x1024xf32>
    tpu.vector_store %arg4[%swap3A, %swap3A_25], %dot_general3A_24 {strides = array<i32>} : memref<128x1024xf32, #tpu.memory_space<vmem>>, vector<128x1024xf32>,
    return
  }
  func.func @transform_0(%arg0: i32) -> (i32, i32) {
    %c0_i32 = arith.constant 0 : i32
    %c0_i32_0 = arith.constant 0 : i32
    return %arg0, %c0_i32 : i32, i32
  }
  func.func @transform_1(%arg0: i32) -> (i32, i32) {
    %c0_i32 = arith.constant 0 : i32
    %c0_i32_0 = arith.constant 0 : i32
    return %arg0, %c0_i32 : i32, i32
  }
  func.func @transform_2(%arg0: i32) -> (i32, i32) {
    %c0_i32 = arith.constant 0 : i32
    %c0_i32_0 = arith.constant 0 : i32
    %c0_i32_1 = arith.constant 0 : i32
    return %c0_i32, %c0_i32_0 : i32, i32
  }
  func.func @transform_3(%arg0: i32) -> (i32, i32) {
    %c0_i32 = arith.constant 0 : i32
    %c0_i32_0 = arith.constant 0 : i32
    return %arg0, %c0_i32 : i32, i32
  }
}

</mosaic_0001>

<sc_bundles>
// kernel: gather_offload_async_start
scs
__scs_entry_jumppad:
0x0: {  	(pc) =	sbr.rel $0x88, $3  }
0x1: {  	(tag) =	ssettag $0x0;
	lr =	simm.s32 $0x1  }
0x2: {  	[smem:$0x3F9D] =	sst lr;
	_ =	strace $0xD0000000  }
0x3: {  	_ = 	snop  }
0x4: {  	_ = 	snop  }
0x5: {  	_ = 	snop  }
0x6: {  	_ = 	snop  }
0x7: {  	_ = 	snop  }
__scs_overlays_trampoline_lowered:
0x8: {  	[smem:$0x3FAC] =	sst s0  }
0x9: {  	[smem:$0x3FAD] =	sst s1  }
0xa: {  	[smem:$0x3FAE] =	sst s2  }
0xb: {  	[smem:$0x3FAF] =	sst s3  }
0xc: {  	[smem:$0x3FB0] =	sst s4  }
0xd: {  	[smem:$0x3FB1] =	sst s5  }
0xe: {  	[smem:$0x3FB2] =	sst s6  }
0xf: {  	[smem:$0x3FB3] =	sst s7  }
0x10: {  	[smem:$0x3FB4] =	sst s8  }
0x11: {  	[smem:$0x3FB5] =	sst s9;
	s0 =	simm.s32 @!p0 $0x0  }
0x12: {  	s1 =	sld [smem:$0x3F9B];
	s0 =	simm.s32 @p0 $0x1  }
0x13: {  	[smem:$0x3FB6] =	sst s0;
	s0 =	simm.s32 @!p1 $0x0  }
0x14: {  	s2 =	sld [smem:$0x3F9A];
	s0 =	simm.s32 @p1 $0x1  }
0x15: {  	[smem:$0x3FB7] =	sst s0;
	s0 =	simm.s32 @!p2 $0x0  }
0x16: {  	s3 =	sld [smem:$0x3FDB];
	s0 =	simm.s32 @p2 $0x1  }
0x17: {  	s4 =	simm.s32 $0x1BF5;
	[smem:$0x3FB9] =	sst s0  }
0x18: {  	s0 =	sld [smem:$0x3F9C];
	_ =	swait.ge [sflag:s4], $0x0  }
0x19: {  	s7 =	sld [smem:$0x3F9D]  }
0x1a: {  	s8 =	sadd.s32 $0xFFFFE003, lr  }
0x1b: {  	s9 =	sadd.s32 $0xFFFFFEF7, lr;
	s5 =	simm.s32 $0xFFFFFFFF;
	p2 =	slt.u32 s8, $0xFFFFF086  }
0x1c: {  	p1 =	slt.u32 s9, $0xF7A;
	s5 =	simm.s32 @!p2 $0x0  }
0x1d: {  	s5 =	simm.s32 @p1 $0x1;
	p0 =	seq.s32 s7, s2  }
0x1e: {  	s7 =	smul.u32 @!p0 $0xF7A, s2;
	p2 =	seq.s32 @!p0 s5, $0x0  }
0x1f: {  	s9 =	smul.u32 $0xF7A, s1;
	s8 =	simm.s32 @!p0 $0x1BF5;
	p2 =	por !p2, p0  }
0x20: {  	[sflag:s8] =	ssyncset.s32 @!p0 $0xFFFFF086;
	s6 =	sadd.s32 @!p0 s3, s7;
	s7 =	simm.s32 @!p0 $0x108  }
0x21: {  	s3 =	sadd.s32 s3, s9;
	s6 =	sadd.s32 @!p0 $0x88, s6;
	s7 =	simm.s32 @p2 $0x1082  }
0x22: {  	[simem:s7], [sflag:s8] =	dma.local @!p0 [hbm:s6], $0xF7A  }
0x23: {  	s9 =	sor.u32 $0xD0000000, s2;
	s6 =	simm.s32 $0x108;
	_ =	swait.ge @!p0 [sflag:s8], $0x0  }
0x24: {  	s3 =	sadd.s32 $0x88, s3;
	s6 =	simm.s32 @!p1 $0x1082;
	[sflag:s4] =	ssyncset.s32 $0xFFFFF086  }
0x25: {  	[simem:s6], [sflag:s4] =	dma.local [hbm:s3], $0xF7A  }
0x26: {  	[smem:$0x3F9D] =	sst s1;
	(tag) =	ssettag s2;
	_ =	strace s9  }
0x27: {  	s1 =	sld [smem:$0x3FAD]  }
0x28: {  	s2 =	sld [smem:$0x3FAE]  }
0x29: {  	s4 =	sld [smem:$0x3FB0]  }
0x2a: {  	p0 =	seq.s32 s5, $0x0;
	s5 =	sld [smem:$0x3FB1]  }
0x2b: {  	s6 =	sld [smem:$0x3FB2]  }
0x2c: {  	s7 =	sld [smem:$0x3FB3]  }
0x2d: {  	s3 =	simm.s32 $0x108;
	s8 =	sld [smem:$0x3FB4]  }
0x2e: {  	s3 =	simm.s32 @!p0 $0x1082;
	s9 =	sld [smem:$0x3FB5]  }
0x2f: {  	lr =	sadd.s32 s0, s3;
	s0 =	sld [smem:$0x3FAC]  }
0x30: {  	s3 =	sld [smem:$0x3FAF]  }
0x31: {  	[smem:$0x3FB8] =	sst s10  }
0x32: {  	s10 =	sld [smem:$0x3FB6];
	_ =	sdelay $0x3  }
0x33: {  	p0 =	seq.s32 s10, $0x1;
	s10 =	sld [smem:$0x3FB8];
	_ =	sdelay $0x3  }
0x34: {  	[smem:$0x3FB8] =	sst s10  }
0x35: {  	s10 =	sld [smem:$0x3FB7];
	_ =	sdelay $0x3  }
0x36: {  	p1 =	seq.s32 s10, $0x1;
	s10 =	sld [smem:$0x3FB8];
	_ =	sdelay $0x3  }
0x37: {  	[smem:$0x3FB8] =	sst s10  }
0x38: {  	s10 =	sld [smem:$0x3FB9]  }
0x39: {  	_ = 	snop;
	(pc) =	sbr.ind lr, $3  }
0x3a: {  	_ = 	snop  }
0x3b: {  	_ = 	snop  }
0x3c: {  	p2 =	seq.s32 s10, $0x1;
	s10 =	sld [smem:$0x3FB8]  }
0x3d: {  	_ =	shalt  }
0x3e: {  	_ =	shalt  }
0x3f: {  	_ =	shalt  }
0x40: {  	_ =	shalt  }
0x41: {  	_ =	shalt  }
0x42: {  	_ =	shalt  }
0x43: {  	_ =	shalt  }
0x44: {  	_ =	shalt  }
0x45: {  	_ =	shalt  }
0x46: {  	_ =	shalt  }
0x47: {  	_ =	shalt  }
0x48: {  	_ =	shalt  }
0x49: {  	_ =	shalt  }
0x4a: {  	_ =	shalt  }
0x4b: {  	_ =	shalt  }
0x4c: {  	_ =	shalt  }
0x4d: {  	_ =	shalt  }
0x4e: {  	_ =	shalt  }
0x4f: {  	_ =	shalt  }
0x50: {  	_ =	shalt  }
0x51: {  	_ =	shalt  }
0x52: {  	_ =	shalt  }
0x53: {  	_ =	shalt  }
0x54: {  	_ =	shalt  }
0x55: {  	_ =	shalt  }
0x56: {  	_ =	shalt  }
0x57: {  	_ =	shalt  }
0x58: {  	_ =	shalt  }
0x59: {  	_ =	shalt  }
0x5a: {  	_ =	shalt  }
0x5b: {  	_ =	shalt  }
0x5c: {  	_ =	shalt  }
0x5d: {  	_ =	shalt  }
0x5e: {  	_ =	shalt  }
0x5f: {  	_ =	shalt  }
0x60: {  	_ =	shalt  }
0x61: {  	_ =	shalt  }
0x62: {  	_ =	shalt  }
0x63: {  	_ =	shalt  }
0x64: {  	_ =	shalt  }
0x65: {  	_ =	shalt  }
0x66: {  	_ =	shalt  }
0x67: {  	_ =	shalt  }
0x68: {  	_ =	shalt  }
0x69: {  	_ =	shalt  }
0x6a: {  	_ =	shalt  }
0x6b: {  	_ =	shalt  }
0x6c: {  	_ =	shalt  }
0x6d: {  	_ =	shalt  }
0x6e: {  	_ =	shalt  }
0x6f: {  	_ =	shalt  }
0x70: {  	_ =	shalt  }
0x71: {  	_ =	shalt  }
0x72: {  	_ =	shalt  }
0x73: {  	_ =	shalt  }
0x74: {  	_ =	shalt  }
0x75: {  	_ =	shalt  }
0x76: {  	_ =	shalt  }
0x77: {  	_ =	shalt  }
0x78: {  	_ =	shalt  }
0x79: {  	_ =	shalt  }
0x7a: {  	_ =	shalt  }
0x7b: {  	_ =	shalt  }
0x7c: {  	_ =	shalt  }
0x7d: {  	_ =	shalt  }
0x7e: {  	_ =	shalt  }
0x7f: {  	_ =	shalt  }
0x80: {  	_ =	shalt  }
0x81: {  	_ =	shalt  }
0x82: {  	_ =	shalt  }
0x83: {  	_ =	shalt  }
0x84: {  	_ =	shalt  }
0x85: {  	_ =	shalt  }
0x86: {  	_ =	shalt  }
0x87: {  	_ =	shalt  }
.Lfunc_end0:
.L_simem_size_0:
called_computation_lowered:
.L_overlay_start_0:
0x88: {  	s2 =	sld [smem:$0x3FD9]  }
0x89: {  	s3 =	sld [smem:$0x3FFE];
	_ =	sdelay $0x1  }
0x8a: {  	s1 =	srdreg.scid  }
0x8b: {  	s0 =	sand.u32 $0x1, s1  }
0x8c: {  	s17 =	sshll.u32 s0, $0xA;
	s2 =	sadd.s32 s3, s2  }
0x8d: {  	s2 =	sadd.s32 s2, s17  }
0x8e: {  	[smem:$0x3FC4] =	sst s2  }
0x8f: {  	_ = 	snop  }
0x90: {  	s2 =	sld [smem:$0x3FD0];
	(tm) =	ssettm $0x1  }
0x91: {  	s18 =	sld [smem:$0x3FFB];
	_ =	sdelay $0x3  }
0x92: {  	_ =	strace s18  }
0x93: {  	s3 =	sld [smem:$0x3FFC];
	_ =	sdelay $0x3  }
0x94: {  	_ =	strace s3  }
0x95: {  	s3 =	sld [smem:$0x3FFD];
	_ =	sdelay $0x3  }
0x96: {  	_ =	strace s3  }
0x97: {  	_ =	strace $0x8FFFFFFF  }
0x98: {  	s19 =	sld [smem:$0x3FDB];
	_ =	sdelay $0x1  }
0x99: {  	s4 =	simm.s32 $_scs_section_size  }
0x9a: {  	s5 =	simm.s32 $_size__tile_overlayer_lowered;
	s6 =	simm.s32 $_tile_overlayer_lowered  }
0x9b: {  	s22 =	simm.s32 $0x1BFF;
	s21 =	sshll.u32 s6, $0x1;
	s3 =	sadd.s32 s4, s19  }
0x9c: {  	s7 =	simm.s32 $0x0;
	s20 =	sshll.u32 s5, $0x1;
	s5 =	sadd.s32 s21, s3  }
0x9d: {  	[timem:s7], [sflag:s22] =	dma.local [hbm:s5], s20  }
0x9e: {  	_ =	swait.ge [sflag:s22], s20  }
0x9f: {  	s4 =	ssub.s32 $0x0, s20;
	[sflag:s22] =	ssyncset.done $0x0  }
0xa0: {  	[sflag:s22] =	ssyncadd.s32 s4;
	_ =	sdelay $0x1  }
0xa1: {  	s23 =	simm.s32 $0x1B8B  }
0xa2: {  	_ =	swait.ge [sflag:s23], $0x1  }
0xa3: {  	[sflag:s23] =	ssyncset.done $0x0  }
0xa4: {  	s25 =	simm.s32 $0x1B8E;
	s24 =	sld [smem:$0x3FFE];
	[sflag:s23] =	ssyncadd.s32 $0xFFFFFFFF  }
0xa5: {  	s26 =	simm.s32 $execute0_lowered;
	[smem:$0x3FD2] =	sst s25  }
0xa6: {  	s5 =	sshll.u32 s26, $0x1;
	_ =	strace $0x80000046;
	[dreg:$0x1] =	wrdreg $0xFFFFFFFF  }
0xa7: {  	s28 =	simm.s32 $_size_execute0_lowered;
	s3 =	sadd.s32 s3, s5;
	[dreg:$0x0] =	wrdreg $0x0  }
0xa8: {  	s5 =	sshll.u32 s28, $0x1;
	[dreg:$0x2] =	wrdreg s3  }
0xa9: {  	[dreg:$0x3] =	wrdreg s5  }
0xaa: {  	[dreg:$0x4] =	wrdreg $0xC0  }
0xab: {  	_ =	task [dreg:s7], $0x5FFFF  }
0xac: {  	[dreg:$0x1] =	wrdreg $0xFFFFFFFF  }
0xad: {  	[dreg:$0x0] =	wrdreg $0x60  }
0xae: {  	[dreg:$0x2] =	wrdreg s2  }
0xaf: {  	[dreg:$0x3] =	wrdreg s24  }
0xb0: {  	[dreg:$0x4] =	wrdreg $0x9  }
0xb1: {  	_ =	task.clear_ibuf [dreg:s7], $0x5FFFF;
	_ =	strace $0x90000046  }
0xb2: {  	s29 =	simm.s32 $0x9;
	_ =	strace $0x80000048  }
0xb3: {  	_ =	swait.ge [sflag:s29], $0x1  }
0xb4: {  	[sflag:s29] =	ssyncadd.s32 $0xFFFFFFFF  }
0xb5: {  	_ =	strace $0x90000048  }
0xb6: {  	_ =	sfence  }
0xb7: {  	s30 =	sld [smem:$0x0];
	_ =	sdelay $0x2  }
0xb8: {  	s31 =	sshll.u32 s1, $0xD;
	s1 =	sshrl.u32 s1, $0x2  }
0xb9: {  	s3 =	sand.u32 $0x4000, s31;
	s1 =	sadd.s32 s1, s30  }
0xba: {  	s0 =	sor.u32 s3, s0;
	s1 =	sshll.u32 s1, $0x11  }
0xbb: {  	s0 =	sor.u32 s1, s0  }
0xbc: {  	s0 =	sadd.s32 $0x8F2B, s0  }
0xbd: {  	[sflag:s0] =	ssyncadd.remote.s32 $0x1  }
0xbe: {  	_ =	sfence.sel $0xFFFF  }
0xbf: {  	[dreg:$0x0] =	wrdreg $0xFFFFFFFF;
	(pc) =	sbr.abs _section_cstart, $3  }
0xc0: {  	[dreg:$0x1] =	wrdreg $0xFFFFFFFF  }
0xc1: {  	_ =	task.clear_ibuf [dreg:s7], $0x2FFFF;
	_ =	strace $0x9FFFFFFF  }
0xc2: {  	(tm) =	ssettm $0x7FFFFFFF  }
0xc3: {  	_ =	shalt  }
tec
execute0_lowered:
.L_overlay_start_1:
0x0: {  	(tag) =	ssettag $0x1  }
0x1: {  	s1 =	srdreg.scid;
	s2 =	rddreg [dreg:$0x0]  }
0x2: {  	s0 =	stileid.u32;
	s3 =	rddreg [dreg:$0x1]  }
0x3: {  	s6 =	simm.s32 $0x1;
	s9 =	simm.s32 $0x1;
	s1 =	sshll.u32 s1, $0x6  }
0x4: {  	s10 =	simm.s32 $0x3;
	s4 =	sshll.u32 s0, $0x7;
	s5 =	sand.u32 $0x40, s1  }
0x5: {  	s13 =	simm.s32 $0x0;
	s12 =	simm.s32 $0x0;
	s4 =	sor.u32 s4, s5  }
0x6: {  	s1 =	rddreg [dreg:$0x2];
	_ =	strace $0x80000047;
	s8 =	ssub.s32 $0x1000, s4  }
.Ltmp0:
0x7: {  	s5 =	sadd.s32 $0x1000, s3;
	s7 =	sand.u32 $0x7C0, s8;
	(pc) =	sbr.rel .LBB2_1-.Ltmp0, $4  }
0x8: {  	[sflag:s6] =	ssyncpa.u1 $0x0;
	s11 =	smov.u32 s4;
	p0 =	sne.s32 s7, $0x0  }
0x9: {  	s8 =	sshrl.u32 s8, $0xB;
	s7 =	simm.s32 $0x2;
	s9 =	simm.s32 @!p0 $0x0  }
0xa: {  	[sflag:s7] =	ssyncpa.u1 $0x0;
	p0 =	por $0x0, $0x0;
	s8 =	sadd.s32 s9, s8  }
0xb: {  	vm0 =	vmmov $0xffff;
	[sflag:s10] =	ssyncpa.u1 $0x0;
	s10 =	simm.s32 $0x0;
	s9 =	sadd.s32 $0x1, s8  }
.LBB2_4:
0xc: {  	v1 =	vsel vm1, $0xFFFFFFFF, v1;
	v2 =	vand.u32 $0x7, v2  }
0xd: {  	v2 =	vsel vm1, $0xFFFFFFFF, v2;
	v3 =	vshll.u32 v1, $0x3  }
0xe: {  	v4 =	vand.u32 $0xFFFF8000, v2;
	v3 =	vand.u32 $0xFFFFFC00, v3;
	v2 =	vshll.u32 v2, $0x7  }
0xf: {  	v3 =	vadd.s32 v3, v4;
	v2 =	vand.u32 $0x380, v2  }
0x10: {  	v1 =	vand.u32 $0x7F, v1;
	v2 =	vor.u32 v2, v3  }
0x11: {  	v1 =	vor.u32 v1, v2;
	_ =	sdelay $0x1  }
0x12: {  	(ifvalue) =	ssetifvalue $0x7FFFFFFF;
	s15 =	sadd.s32 $0x10, s15  }
0x13: {  	[tilespmem:s15], [sflag:$0x1] =	stream.indirect_vreg.gather [hbm4b:s2+s10], $0x1, v0, vm0, $0x4038;
	[tilespmem:$0x100] =	vst v63  }
0x14: {  	(ifvalue) =	ssetifvalue $0x7FFFFFFF;
	s15 =	sadd.s32 $0x10, s15  }
0x15: {  	[tilespmem:s15], [sflag:$0x1] =	stream.indirect_vreg.gather [hbm4b:s2+s10], $0x1, v1, vm0, $0x4038;
	[tilespmem:$0x100] =	vst v63  }
0x16: {  	_ =	swait.ge [sflag:s6], $0x40  }
0x17: {  	s30 =	sshrl.u32 s13, $0x3;
	[sflag:s6] =	ssyncset.done $0x0  }
0x18: {  	s31 =	sand.u32 $0x7, s13;
	s15 =	sadd.s32 s3, s30;
	[sflag:s6] =	ssyncadd.s32 $0xFFFFFFC0  }
0x19: {  	[hbm4b:s15+s31] =	stream.linear.scatter [tilespmem:s14], [sflag:$0x3], $0x40, $0x38;
	[tilespmem:$0x100] =	vst v63  }
.LBB2_5:
0x1a: {  	s15 =	sadd.s32 $0x800, s11  }
0x1b: {  	p2 =	sgt.s32 s15, $0xFFF  }
0x1c: {  	s15 =	smov.u32 @p2 s4;
	p2 =	sne.s32 s12, s9  }
.Ltmp1:
0x1d: {  	p1 =	slt.u32 s12, $0x2;
	(pc) =	sbr.rel @!p2 .LBB2_6-.Ltmp1, $4  }
0x1e: {  	s14 =	simm.s32 @!p1 $0x3  }
0x1f: {  	s16 =	sadd.s32 $0x1, s12;
	_ =	swait.ge @!p1 [sflag:s14], $0x40  }
0x20: {  	s13 =	smov.u32 s11;
	p0 =	por !p0, !p0;
	[sflag:s14] =	ssyncset.done @!p1 $0x0  }
0x21: {  	s12 =	smov.u32 s16;
	s11 =	smov.u32 s15;
	[sflag:s14] =	ssyncadd.s32 @!p1 $0xFFFFFFC0  }
.LBB2_1:
0x22: {  	p1 =	sge.u32 s12, s8  }
0x23: {  	s14 =	sxor.u32 @!p1 $0xFFFFFFFF, s12  }
0x24: {  	s31 =	sadd.s32 $0xFFFFFFFF, s12;
	s15 =	sshrl.u32 @!p1 s11, $0x3;
	s14 =	sshll.u32 @!p1 s14, $0x6  }
0x25: {  	s16 =	sand.u32 @!p1 $0x7, s11;
	s15 =	sadd.s32 @!p1 s5, s15;
	s14 =	sand.u32 @!p1 $0x40, s14  }
0x26: {  	[tilespmem:s14], [sflag:$0x2] =	stream.linear.gather @!p1 [hbm4b:s15+s16], $0x40, $0x38;
	[tilespmem:$0x100] =	vst v63  }
0x27: {  	p1 =	sge.u32 s31, s8  }
.Ltmp2:
0x28: {  	_ = 	snop;
	(pc) =	sbr.rel @p1 .LBB2_5-.Ltmp2, $1  }
0x29: {  	_ =	sdelay $0x3  }
0x2a: {  	s14 =	simm.s32 $0x1  }
0x2b: {  	_ =	swait.ge [sflag:s7], $0x40;
	s14 =	simm.s32 @!p0 $0x0  }
0x2c: {  	[sflag:s7] =	ssyncset.done $0x0;
	s14 =	sshll.u32 s14, $0x6  }
0x2d: {  	[sflag:s7] =	ssyncadd.s32 $0xFFFFFFC0;
	(ifvalue) =	ssetifvalue $0x7FFFFFFF;
	v0 =	vld.msk [tilespmem:s14+$0x0 ss:$0x1], $0xffff;
	_ =	sdelay $0x3  }
0x2e: {  	s15 =	sadd.s32 $0x10, s14  }
0x2f: {  	v2 =	vld.msk [tilespmem:s15+$0x0 ss:$0x1], $0xffff;
	vm1 =	veq.s32 v0, $0x80000000;
	v1 =	vand.u32 $0xFFF, v0;
	v0 =	vshrl.u32 v0, $0xC  }
0x30: {  	v1 =	vsel vm1, $0xFFFFFFFF, v1;
	v0 =	vand.u32 $0x7, v0  }
0x31: {  	v0 =	vsel vm1, $0xFFFFFFFF, v0;
	v3 =	vshll.u32 v1, $0x3  }
0x32: {  	v4 =	vand.u32 $0xFFFF8000, v0;
	v3 =	vand.u32 $0xFFFFFC00, v3;
	v0 =	vshll.u32 v0, $0x7  }
0x33: {  	v3 =	vadd.s32 v3, v4;
	v0 =	vand.u32 $0x380, v0  }
0x34: {  	v1 =	vand.u32 $0x7F, v1;
	vm1 =	veq.s32 v2, $0x80000000;
	v0 =	vor.u32 v0, v3  }
0x35: {  	v0 =	vor.u32 v1, v0;
	v1 =	vand.u32 $0xFFF, v2;
	v2 =	vshrl.u32 v2, $0xC  }
0x36: {  	s17 =	sadd.s32 $0x10, s15;
	v1 =	vsel vm1, $0xFFFFFFFF, v1;
	v2 =	vand.u32 $0x7, v2  }
0x37: {  	v3 =	vld.msk [tilespmem:s17+$0x0 ss:$0x1], $0xffff;
	v2 =	vsel vm1, $0xFFFFFFFF, v2;
	v63 =	vshll.u32 v1, $0x3  }
0x38: {  	v5 =	vand.u32 $0xFFFF8000, v2;
	v4 =	vand.u32 $0xFFFFFC00, v63;
	v2 =	vshll.u32 v2, $0x7  }
0x39: {  	s31 =	sshll.u32 s12, $0x6;
	s15 =	sor.u32 $0x80, s14;
	(ifvalue) =	ssetifvalue $0x7FFFFFFF;
	v4 =	vadd.s32 v4, v5;
	v2 =	vand.u32 $0x380, v2  }
0x3a: {  	[tilespmem:s15], [sflag:$0x1] =	stream.indirect_vreg.gather [hbm4b:s2+s10], $0x1, v0, vm0, $0x4038;
	v0 =	vand.u32 $0x7F, v1;
	v1 =	vor.u32 v2, v4;
	[tilespmem:$0x100] =	vst v63  }
0x3b: {  	s14 =	sand.u32 $0x40, s31;
	v0 =	vor.u32 v0, v1  }
0x3c: {  	s16 =	simm.s32 $0x20;
	s14 =	sor.u32 $0x80, s14;
	s17 =	sadd.s32 $0x10, s17;
	vm1 =	veq.s32 v3, $0x80000000;
	v2 =	vshrl.u32 v3, $0xC;
	v1 =	vand.u32 $0xFFF, v3  }
.LBB2_3:
0x3d: {  	v3 =	vld.msk [tilespmem:s17+$0x0 ss:$0x1], $0xffff;
	s16 =	sadd.s32 $0x10, s16;
	v1 =	vsel vm1, $0xFFFFFFFF, v1;
	v2 =	vand.u32 $0x7, v2  }
0x3e: {  	p1 =	slt.u32 s16, $0x30;
	v2 =	vsel vm1, $0xFFFFFFFF, v2;
	v4 =	vshll.u32 v1, $0x3  }
.Ltmp3:
0x3f: {  	s15 =	sadd.s32 $0x10, s15;
	v5 =	vand.u32 $0xFFFF8000, v2;
	v4 =	vand.u32 $0xFFFFFC00, v4;
	v2 =	vshll.u32 v2, $0x7;
	(ifvalue) =	ssetifvalue $0x7FFFFFFF;
	(pc) =	sbr.rel @p1 .LBB2_3-.Ltmp3, $4  }
0x40: {  	v4 =	vadd.s32 v4, v5;
	v2 =	vand.u32 $0x380, v2;
	[tilespmem:s15], [sflag:$0x1] =	stream.indirect_vreg.gather [hbm4b:s2+s10], $0x1, v0, vm0, $0x4038;
	[tilespmem:$0x100] =	vst v63  }
0x41: {  	v0 =	vand.u32 $0x7F, v1;
	v1 =	vor.u32 v2, v4  }
0x42: {  	v0 =	vor.u32 v0, v1  }
0x43: {  	s17 =	sadd.s32 $0x10, s17;
	vm1 =	veq.s32 v3, $0x80000000;
	v1 =	vand.u32 $0xFFF, v3;
	v2 =	vshrl.u32 v3, $0xC  }
.Ltmp4:
0x44: {  	_ = 	snop;
	(pc) =	sbr.rel .LBB2_4-.Ltmp4, $1  }
0x45: {  	_ =	sdelay $0x3  }
.LBB2_6:
0x46: {  	_ =	sfence.sel $0x180000  }
0x47: {  	s2 =	simm.s32 $0x2;
	[bflag:$0x0] =	sbarrier.arrive $0xFFFF  }
0x48: {  	s30 =	simm.s32 $0x3;
	[sflag:s2] =	ssyncpa.u1 $0x1  }
0x49: {  	s31 =	simm.s32 $0x1;
	[sflag:s30] =	ssyncpa.u1 $0x1  }
0x4a: {  	[sflag:s31] =	ssyncpa.u1 $0x1  }
0x4b: {  	p0 =	sne.s32 s0, $0x0;
	_ =	strace $0x90000047  }
0x4c: {  	s0 =	sadd.s32 @!p0 $0x100000, s1;
	[bflag:$0x2] =	sbarrier.arrive $0xFFFF  }
0x4d: {  	[sflag:s0] =	ssyncadd.tile.s32 @!p0 $0x1;
	_ =	shalt  }
.Lfunc_end2:
_tile_overlayer_lowered:
.L_overlay_start_2:
0x4e: {  	(tag) =	ssettag $0x2  }
0x4f: {  	s0 =	rddreg [dreg:$0x0];
	s2 =	stileid.u32  }
0x50: {  	s1 =	rddreg [dreg:$0x1];
	p0 =	sne.s32 s2, $0x0  }
0x51: {  	s3 =	rddreg [dreg:$0x2];
	[bflag:$0x3] =	sbarrier.arrive $0xFFFF;
	s2 =	simm.s32 @!p0 $0x1C01  }
0x52: {  	[timem:s3], [sflag:s2] =	dma.local @!p0 [hbm:s0], s1  }
0x53: {  	s0 =	simm.s32 @!p0 $0x1  }
0x54: {  	_ =	swait.ge @!p0 [sflag:s0], s1  }
0x55: {  	s1 =	ssub.s32 @!p0 $0x0, s1;
	[sflag:s0] =	ssyncset.done @!p0 $0x0  }
0x56: {  	[sflag:s0] =	ssyncadd.s32 @!p0 s1  }
0x57: {  	[bflag:$0x3] =	sbarrier.arrive $0xFFFF  }
0x58: {  	_ =	shalt  }

</sc_bundles>
